<compile_context>
chip_gen: v7x
topology: tpu7x:2x2x1
jax: 0.10.2.dev20260603
libtpu: 0.0.44.dev20260713+nightly
codegen_flags: <defaults>
</compile_context>

<pallas_src>
import functools

import jax
import jax.numpy as jnp
from jax import lax
from jax.experimental import pallas as pl
from jax.experimental.pallas import tpu as pltpu
from jax.experimental.pallas import tpu_sc as plsc

N_ROWS = 8192
N_CODES = 8192
DIM = 256
LOSS_SCALE = 1.25 / (N_ROWS * DIM)


def _transpose_body(e_ref, o_ref):
    o_ref[...] = e_ref[...].T


def _transpose_e(embeddings):
    bt = 4096
    return pl.pallas_call(
        _transpose_body,
        grid=(N_CODES // bt,),
        in_specs=[pl.BlockSpec((DIM, bt), lambda i: (0, i))],
        out_specs=pl.BlockSpec((bt, DIM), lambda i: (i, 0)),
        out_shape=jax.ShapeDtypeStruct((N_CODES, DIM), jnp.float32),
    )(embeddings)


_LB = 4096


def _loss_body(q_ref, f_ref, loss_ref):
    r = pl.program_id(0)
    d = q_ref[...] - f_ref[...]
    bsum = jnp.sum(d * d) * LOSS_SCALE

    @pl.when(r == 0)
    def _():
        loss_ref[0, 0] = bsum

    @pl.when(r > 0)
    def _():
        loss_ref[0, 0] += bsum


def _loss(q, flat):
    return pl.pallas_call(
        _loss_body,
        grid=(N_ROWS // _LB,),
        in_specs=[
            pl.BlockSpec((_LB, DIM), lambda r: (r, 0)),
            pl.BlockSpec((_LB, DIM), lambda r: (r, 0)),
        ],
        out_specs=pl.BlockSpec(memory_space=pltpu.SMEM, block_shape=(1, 1),
                               index_map=lambda r: (0, 0)),
        out_shape=jax.ShapeDtypeStruct((1, 1), jnp.float32),
    )(q, flat)


_SC_INFO = plsc.get_sparse_core_info()
_NW = _SC_INFO.num_cores * _SC_INFO.num_subcores
_B_PER_W = N_ROWS // _NW


@functools.partial(
    pl.kernel,
    out_type=jax.ShapeDtypeStruct((N_ROWS, DIM), jnp.float32),
    mesh=plsc.VectorSubcoreMesh(core_axis_name="c", subcore_axis_name="s"),
    scratch_types=[
        pltpu.VMEM((_B_PER_W,), jnp.int32),
        pltpu.VMEM((_B_PER_W, DIM), jnp.float32),
        pltpu.SemaphoreType.DMA,
    ],
)
def _sc_gather(idx_hbm, table_hbm, out_hbm, idx_v, rows_v, sem):
    wid = lax.axis_index("s") * _SC_INFO.num_cores + lax.axis_index("c")
    base = wid * _B_PER_W
    pltpu.sync_copy(idx_hbm.at[pl.ds(base, _B_PER_W)], idx_v)
    pltpu.async_copy(table_hbm.at[idx_v], rows_v, sem).wait()
    pltpu.sync_copy(rows_v, out_hbm.at[pl.ds(base, _B_PER_W)])


def kernel(inputs, embeddings):
    flat = inputs.reshape(N_ROWS, DIM)
    distances = (
        jnp.sum(flat ** 2, axis=1, keepdims=True)
        - 2.0 * (flat @ embeddings)
        + jnp.sum(embeddings ** 2, axis=0, keepdims=True)
    )
    encoding_indices = jnp.argmin(distances, axis=1)
    et = _transpose_e(embeddings)
    quantized = _sc_gather(encoding_indices, et)
    loss = _loss(quantized, flat)[0, 0]
    return (
        quantized.reshape(inputs.shape),
        encoding_indices.reshape(inputs.shape[:-1]),
        loss,
    )

# --- scband reference (transcript-rebuilt; emitter-appended) ---
"""Pipeline reference for scband-vector-quantizer-69758858821645 (READ-ONLY COPY).

The authoritative reference and input builder live on the scoring server;
editing this copy changes nothing except your own understanding.
"""

import jax, jax.numpy as jnp
import numpy as np

NUM_EMBEDDINGS = 8192
EMBEDDING_DIM = 256
COMMITMENT_COST = 0.25


def setup_inputs(seed: int = 0) -> dict:
    key = jax.random.key(seed)
    k1, k2 = jax.random.split(key)
    inputs = jax.random.normal(k1, (8, 1024, EMBEDDING_DIM), dtype=jnp.float32)
    # VarianceScaling-like init for the codebook (embedding_dim, num_embeddings)
    embeddings = jax.random.normal(k2, (EMBEDDING_DIM, NUM_EMBEDDINGS), dtype=jnp.float32) * (1.0 / np.sqrt(EMBEDDING_DIM))
    return {"inputs": inputs, "embeddings": embeddings}


def reference(inputs, embeddings):
    flat = inputs.reshape(-1, EMBEDDING_DIM)
    distances = (
        jnp.sum(flat ** 2, axis=1, keepdims=True)
        - 2.0 * (flat @ embeddings)
        + jnp.sum(embeddings ** 2, axis=0, keepdims=True)
    )
    encoding_indices = jnp.argmin(distances, axis=1)
    encodings = jax.nn.one_hot(encoding_indices, NUM_EMBEDDINGS, dtype=flat.dtype)
    quantized = encodings @ embeddings.T
    quantized = quantized.reshape(inputs.shape)
    loss = (
        jnp.mean((jax.lax.stop_gradient(quantized) - inputs) ** 2)
        + COMMITMENT_COST * jnp.mean((quantized - jax.lax.stop_gradient(inputs)) ** 2)
    )
    quantized_st = inputs + jax.lax.stop_gradient(quantized - inputs)
    return (quantized_st, encoding_indices.reshape(inputs.shape[:-1]), loss)

if __name__ == "__main__":
    import jax
    _d = setup_inputs()
    print(jax.jit(kernel)(*tuple(_d.values())))

</pallas_src>

<mosaic_0001>
#map = affine_map<(d0, d1) -> (0)>
#map1 = affine_map<(d0, d1) -> (0, 0)>
module attributes {stable_mosaic.version = 14 : i64} {
  func.func @_sc_gather(%arg0: i32, %arg1: i32, %arg2: memref<8192xi32, #tpu.memory_space<hbm>>, %arg3: memref<8192x256xf32, #tpu.memory_space<hbm>>, %arg4: memref<8192x256xf32, #tpu.memory_space<hbm>>, %arg5: memref<256xi32, #tpu.memory_space<vmem>>, %arg6: memref<256x256xf32, #tpu.memory_space<vmem>>, %arg7: memref<!tpu.dma_semaphore, #tpu.memory_space<semaphore_mem>>) attributes {dimension_semantics = [#tpu.dimension_semantics<core_parallel>, #tpu.dimension_semantics<subcore_parallel>], iteration_bounds = array<i64: 2, 16>, scalar_prefetch = 0 : i64, scratch_operands = 3 : i64, tpu.core_type = #tpu.core_type<sc_vector_subcore>, window_params = [{transform_indices = #map}, {transform_indices = #map1}, {transform_indices = #map1}]} {
    %mul3A = arith.constant 2 : i32
    %mul3A_0 = arith.muli %arg1, %mul3A : i32
    %add3A = arith.addi %mul3A_0, %arg0 : i32
    %mul3A_1 = arith.constant 256 : i32
    %mul3A_2 = arith.muli %add3A, %mul3A_1 : i32
    "tpu.region"() ({
      %run_scoped3A = tpu.sem_alloc : memref<!tpu.dma_semaphore, #tpu.memory_space<semaphore_mem>>
      %dma_start3A_7 = tpu.memref_slice %arg2[%mul3A_2] : memref<8192xi32, #tpu.memory_space<hbm>> -> memref<256xi32, #tpu.memory_space<hbm>>
      %dma_start3A_8 = tpu.memref_slice %arg2[%mul3A_2] : memref<8192xi32, #tpu.memory_space<hbm>> -> memref<256xi32, #tpu.memory_space<hbm>>
      tpu.enqueue_dma source(%dma_start3A_8 : memref<256xi32, #tpu.memory_space<hbm>>) target(%arg5 : memref<256xi32, #tpu.memory_space<vmem>>) target_semaphore(%run_scoped3A : memref<!tpu.dma_semaphore, #tpu.memory_space<semaphore_mem>>)
      %dma_wait3A_9 = tpu.memref_slice %arg2[%mul3A_2] : memref<8192xi32, #tpu.memory_space<hbm>> -> memref<256xi32, #tpu.memory_space<hbm>>
      %dma_wait3A_10 = tpu.memref_slice %arg2[%mul3A_2] : memref<8192xi32, #tpu.memory_space<hbm>> -> memref<256xi32, #tpu.memory_space<hbm>>
      tpu.wait_dma2 semaphore(%run_scoped3A : memref<!tpu.dma_semaphore, #tpu.memory_space<semaphore_mem>>) src(%dma_wait3A_10 : memref<256xi32, #tpu.memory_space<hbm>>) dst(%arg5 : memref<256xi32, #tpu.memory_space<vmem>>)
      tpu.yield
    }) : () -> ()
    %dma_start3A = arith.constant 0 : i32
    %dma_start3A_3 = arith.constant 0 : i32
    %dma_start3A_4 = tpu.memref_slice %arg3[%dma_start3A, %dma_start3A_3] : memref<8192x256xf32, #tpu.memory_space<hbm>> -> memref<8192x256xf32, #tpu.memory_space<hbm>>
    tpu.enqueue_indirect_dma source(%dma_start3A_4 : memref<8192x256xf32, #tpu.memory_space<hbm>>) target(%arg6 : memref<256x256xf32, #tpu.memory_space<vmem>>) offsets(%arg5 : memref<256xi32, #tpu.memory_space<vmem>>) semaphore(%arg7 : memref<!tpu.dma_semaphore, #tpu.memory_space<semaphore_mem>>)
    %dma_wait3A = arith.constant 0 : i32
    %dma_wait3A_5 = arith.constant 0 : i32
    %dma_wait3A_6 = tpu.memref_slice %arg3[%dma_wait3A, %dma_wait3A_5] : memref<8192x256xf32, #tpu.memory_space<hbm>> -> memref<8192x256xf32, #tpu.memory_space<hbm>>
    tpu.wait_indirect_dma semaphore(%arg7 : memref<!tpu.dma_semaphore, #tpu.memory_space<semaphore_mem>>) src(%dma_wait3A_6 : memref<8192x256xf32, #tpu.memory_space<hbm>>) dst(%arg6 : memref<256x256xf32, #tpu.memory_space<vmem>>)
    "tpu.region"() ({
      %run_scoped3A = tpu.sem_alloc : memref<!tpu.dma_semaphore, #tpu.memory_space<semaphore_mem>>
      %dma_start3A_7 = arith.constant 0 : i32
      %dma_start3A_8 = tpu.memref_slice %arg4[%mul3A_2, %dma_start3A_7] : memref<8192x256xf32, #tpu.memory_space<hbm>> -> memref<256x256xf32, #tpu.memory_space<hbm>>
      %dma_start3A_9 = arith.constant 0 : i32
      %dma_start3A_10 = tpu.memref_slice %arg4[%mul3A_2, %dma_start3A_9] : memref<8192x256xf32, #tpu.memory_space<hbm>> -> memref<256x256xf32, #tpu.memory_space<hbm>>
      tpu.enqueue_dma source(%arg6 : memref<256x256xf32, #tpu.memory_space<vmem>>) target(%dma_start3A_10 : memref<256x256xf32, #tpu.memory_space<hbm>>) target_semaphore(%run_scoped3A : memref<!tpu.dma_semaphore, #tpu.memory_space<semaphore_mem>>)
      %dma_wait3A_11 = arith.constant 0 : i32
      %dma_wait3A_12 = tpu.memref_slice %arg4[%mul3A_2, %dma_wait3A_11] : memref<8192x256xf32, #tpu.memory_space<hbm>> -> memref<256x256xf32, #tpu.memory_space<hbm>>
      %dma_wait3A_13 = arith.constant 0 : i32
      %dma_wait3A_14 = tpu.memref_slice %arg4[%mul3A_2, %dma_wait3A_13] : memref<8192x256xf32, #tpu.memory_space<hbm>> -> memref<256x256xf32, #tpu.memory_space<hbm>>
      tpu.wait_dma2 semaphore(%run_scoped3A : memref<!tpu.dma_semaphore, #tpu.memory_space<semaphore_mem>>) src(%arg6 : memref<256x256xf32, #tpu.memory_space<vmem>>) dst(%dma_wait3A_14 : memref<256x256xf32, #tpu.memory_space<hbm>>)
      tpu.yield
    }) : () -> ()
    return
  }
}

module attributes {stable_mosaic.version = 14 : i64} {
  func.func @_transpose_body(%arg0: i32, %arg1: memref<256x4096xf32, #tpu.memory_space<vmem>>, %arg2: memref<4096x256xf32, #tpu.memory_space<vmem>>) attributes {dimension_semantics = [#tpu.dimension_semantics<arbitrary>], iteration_bounds = array<i64: 2>, scalar_prefetch = 0 : i64, scratch_operands = 0 : i64, tpu.core_type = #tpu.core_type<tc>, window_params = [{transform_indices = @transform_0, window_bounds = array<i64: 256, 4096>}, {transform_indices = @transform_1, window_bounds = array<i64: 4096, 256>}]} {
    %get3A = arith.constant 0 : index
    %get3A_0 = arith.constant 0 : index
    %get3A_1 = vector.load %arg1[%get3A, %get3A_0] : memref<256x4096xf32, #tpu.memory_space<vmem>>, vector<256x4096xf32>
    %transpose3A = tpu.transpose %get3A_1, [1, 0] : vector<256x4096xf32> -> vector<4096x256xf32>
    %swap3A = arith.constant 0 : index
    %swap3A_2 = arith.constant 0 : index
    %swap3A_3 = vector.load %arg2[%swap3A, %swap3A_2] : memref<4096x256xf32, #tpu.memory_space<vmem>>, vector<4096x256xf32>
    tpu.vector_store %arg2[%swap3A, %swap3A_2], %transpose3A {strides = array<i32>} : memref<4096x256xf32, #tpu.memory_space<vmem>>, vector<4096x256xf32>,
    return
  }
  func.func @transform_0(%arg0: i32) -> (i32, i32) {
    %c0_i32 = arith.constant 0 : i32
    %c0_i32_0 = arith.constant 0 : i32
    return %c0_i32, %arg0 : i32, i32
  }
  func.func @transform_1(%arg0: i32) -> (i32, i32) {
    %c0_i32 = arith.constant 0 : i32
    %c0_i32_0 = arith.constant 0 : i32
    return %arg0, %c0_i32 : i32, i32
  }
}

module attributes {stable_mosaic.version = 14 : i64} {
  func.func @_loss_body(%arg0: i32, %arg1: memref<4096x256xf32, #tpu.memory_space<vmem>>, %arg2: memref<4096x256xf32, #tpu.memory_space<vmem>>, %arg3: memref<1x1xf32, #tpu.memory_space<smem>>) attributes {dimension_semantics = [#tpu.dimension_semantics<arbitrary>], iteration_bounds = array<i64: 2>, scalar_prefetch = 0 : i64, scratch_operands = 0 : i64, tpu.core_type = #tpu.core_type<tc>, window_params = [{transform_indices = @transform_0, window_bounds = array<i64: 4096, 256>}, {transform_indices = @transform_1, window_bounds = array<i64: 4096, 256>}, {transform_indices = @transform_2, window_bounds = array<i64: 1, 1>}]} {
    %get3A = arith.constant 0 : index
    %get3A_0 = arith.constant 0 : index
    %get3A_1 = vector.load %arg1[%get3A, %get3A_0] : memref<4096x256xf32, #tpu.memory_space<vmem>>, vector<4096x256xf32>
    %get3A_2 = arith.constant 0 : index
    %get3A_3 = arith.constant 0 : index
    %get3A_4 = vector.load %arg2[%get3A_2, %get3A_3] : memref<4096x256xf32, #tpu.memory_space<vmem>>, vector<4096x256xf32>
    %sub3A = arith.subf %get3A_1, %get3A_4 : vector<4096x256xf32>
    %mul3A = arith.mulf %sub3A, %sub3A : vector<4096x256xf32>
    %reduce_sum3A = vector.shape_cast %mul3A : vector<4096x256xf32> to vector<1x4096x256xf32>
    %reduce_sum3A_5 = arith.constant dense<0.000000e+00> : vector<1xf32>
    %reduce_sum3A_6 = vector.multi_reduction <add>, %reduce_sum3A, %reduce_sum3A_5 [1, 2] : vector<1x4096x256xf32> to vector<1xf32>
    %reduce_sum3A_7 = vector.shape_cast %reduce_sum3A_6 : vector<1xf32> to vector<1x1x1xf32>
    %reduce_sum3A_8 = vector.extract %reduce_sum3A_7[0, 0, 0] : f32 from vector<1x1x1xf32>
    %mul3A_9 = arith.constant 5.96046448E-7 : f32
    %mul3A_10 = arith.mulf %reduce_sum3A_8, %mul3A_9 : f32
    %eq3A = arith.constant 0 : i32
    %eq3A_11 = arith.cmpi eq, %arg0, %eq3A : i32
    %convert_element_type3A = arith.extui %eq3A_11 : i1 to i32
    %cond3A = arith.constant 0 : i32
    %cond3A_12 = arith.cmpi ne, %convert_element_type3A, %cond3A : i32
    scf.if %cond3A_12 {
      %swap3A = arith.constant 0 : index
      %swap3A_17 = arith.constant 0 : index
      %swap3A_18 = memref.load %arg3[%swap3A, %swap3A_17] : memref<1x1xf32, #tpu.memory_space<smem>>
      memref.store %mul3A_10, %arg3[%swap3A, %swap3A_17] : memref<1x1xf32, #tpu.memory_space<smem>>
    } else {
    }
    %gt3A = arith.constant 0 : i32
    %gt3A_13 = arith.cmpi sgt, %arg0, %gt3A : i32
    %convert_element_type3A_14 = arith.extui %gt3A_13 : i1 to i32
    %cond3A_15 = arith.constant 0 : i32
    %cond3A_16 = arith.cmpi ne, %convert_element_type3A_14, %cond3A_15 : i32
    scf.if %cond3A_16 {
      %get3A_17 = arith.constant 0 : index
      %get3A_18 = arith.constant 0 : index
      %get3A_19 = memref.load %arg3[%get3A_17, %get3A_18] : memref<1x1xf32, #tpu.memory_space<smem>>
      %add3A = arith.addf %get3A_19, %mul3A_10 : f32
      %swap3A = arith.constant 0 : index
      %swap3A_20 = arith.constant 0 : index
      %swap3A_21 = memref.load %arg3[%swap3A, %swap3A_20] : memref<1x1xf32, #tpu.memory_space<smem>>
      memref.store %add3A, %arg3[%swap3A, %swap3A_20] : memref<1x1xf32, #tpu.memory_space<smem>>
    } else {
    }
    return
  }
  func.func @transform_0(%arg0: i32) -> (i32, i32) {
    %c0_i32 = arith.constant 0 : i32
    %c0_i32_0 = arith.constant 0 : i32
    return %arg0, %c0_i32 : i32, i32
  }
  func.func @transform_1(%arg0: i32) -> (i32, i32) {
    %c0_i32 = arith.constant 0 : i32
    %c0_i32_0 = arith.constant 0 : i32
    return %arg0, %c0_i32 : i32, i32
  }
  func.func @transform_2(%arg0: i32) -> (i32, i32) {
    %c0_i32 = arith.constant 0 : i32
    %c0_i32_0 = arith.constant 0 : i32
    %c0_i32_1 = arith.constant 0 : i32
    return %c0_i32, %c0_i32_0 : i32, i32
  }
}

</mosaic_0001>

<sc_bundles>
// kernel: kernel.5.cloned.1.call-start
scs
__scs_entry_jumppad:
0x0: {  	(pc) =	sbr.rel $0x88, $3  }
0x1: {  	(tag) =	ssettag $0x0;
	lr =	simm.s32 $0x1  }
0x2: {  	[smem:$0x3F9F] =	sst lr;
	_ =	strace $0xD0000000  }
0x3: {  	_ = 	snop  }
0x4: {  	_ = 	snop  }
0x5: {  	_ = 	snop  }
0x6: {  	_ = 	snop  }
0x7: {  	_ = 	snop  }
__scs_overlays_trampoline_lowered:
0x8: {  	[smem:$0x3FAE] =	sst s0  }
0x9: {  	[smem:$0x3FAF] =	sst s1  }
0xa: {  	[smem:$0x3FB0] =	sst s2  }
0xb: {  	[smem:$0x3FB1] =	sst s3  }
0xc: {  	[smem:$0x3FB2] =	sst s4  }
0xd: {  	[smem:$0x3FB3] =	sst s5  }
0xe: {  	[smem:$0x3FB4] =	sst s6  }
0xf: {  	[smem:$0x3FB5] =	sst s7  }
0x10: {  	[smem:$0x3FB6] =	sst s8  }
0x11: {  	[smem:$0x3FB7] =	sst s9;
	s0 =	simm.s32 @!p0 $0x0  }
0x12: {  	s1 =	sld [smem:$0x3F9D];
	s0 =	simm.s32 @p0 $0x1  }
0x13: {  	[smem:$0x3FB8] =	sst s0;
	s0 =	simm.s32 @!p1 $0x0  }
0x14: {  	s2 =	sld [smem:$0x3F9C];
	s0 =	simm.s32 @p1 $0x1  }
0x15: {  	[smem:$0x3FB9] =	sst s0;
	s0 =	simm.s32 @!p2 $0x0  }
0x16: {  	s3 =	sld [smem:$0x3FDB];
	s0 =	simm.s32 @p2 $0x1  }
0x17: {  	s4 =	simm.s32 $0x1BF5;
	[smem:$0x3FBB] =	sst s0  }
0x18: {  	s0 =	sld [smem:$0x3F9E];
	_ =	swait.ge [sflag:s4], $0x0  }
0x19: {  	s7 =	sld [smem:$0x3F9F]  }
0x1a: {  	s8 =	sadd.s32 $0xFFFFE003, lr  }
0x1b: {  	s9 =	sadd.s32 $0xFFFFFEF7, lr;
	s5 =	simm.s32 $0xFFFFFFFF;
	p2 =	slt.u32 s8, $0xFFFFF086  }
0x1c: {  	p1 =	slt.u32 s9, $0xF7A;
	s5 =	simm.s32 @!p2 $0x0  }
0x1d: {  	s5 =	simm.s32 @p1 $0x1;
	p0 =	seq.s32 s7, s2  }
0x1e: {  	s7 =	smul.u32 @!p0 $0xF7A, s2;
	p2 =	seq.s32 @!p0 s5, $0x0  }
0x1f: {  	s9 =	smul.u32 $0xF7A, s1;
	s8 =	simm.s32 @!p0 $0x1BF5;
	p2 =	por !p2, p0  }
0x20: {  	[sflag:s8] =	ssyncset.s32 @!p0 $0xFFFFF086;
	s6 =	sadd.s32 @!p0 s3, s7;
	s7 =	simm.s32 @!p0 $0x108  }
0x21: {  	s3 =	sadd.s32 s3, s9;
	s6 =	sadd.s32 @!p0 $0x88, s6;
	s7 =	simm.s32 @p2 $0x1082  }
0x22: {  	[simem:s7], [sflag:s8] =	dma.local @!p0 [hbm:s6], $0xF7A  }
0x23: {  	s9 =	sor.u32 $0xD0000000, s2;
	s6 =	simm.s32 $0x108;
	_ =	swait.ge @!p0 [sflag:s8], $0x0  }
0x24: {  	s3 =	sadd.s32 $0x88, s3;
	s6 =	simm.s32 @!p1 $0x1082;
	[sflag:s4] =	ssyncset.s32 $0xFFFFF086  }
0x25: {  	[simem:s6], [sflag:s4] =	dma.local [hbm:s3], $0xF7A  }
0x26: {  	[smem:$0x3F9F] =	sst s1;
	(tag) =	ssettag s2;
	_ =	strace s9  }
0x27: {  	s1 =	sld [smem:$0x3FAF]  }
0x28: {  	s2 =	sld [smem:$0x3FB0]  }
0x29: {  	s4 =	sld [smem:$0x3FB2]  }
0x2a: {  	p0 =	seq.s32 s5, $0x0;
	s5 =	sld [smem:$0x3FB3]  }
0x2b: {  	s6 =	sld [smem:$0x3FB4]  }
0x2c: {  	s7 =	sld [smem:$0x3FB5]  }
0x2d: {  	s3 =	simm.s32 $0x108;
	s8 =	sld [smem:$0x3FB6]  }
0x2e: {  	s3 =	simm.s32 @!p0 $0x1082;
	s9 =	sld [smem:$0x3FB7]  }
0x2f: {  	lr =	sadd.s32 s0, s3;
	s0 =	sld [smem:$0x3FAE]  }
0x30: {  	s3 =	sld [smem:$0x3FB1]  }
0x31: {  	[smem:$0x3FBA] =	sst s10  }
0x32: {  	s10 =	sld [smem:$0x3FB8];
	_ =	sdelay $0x3  }
0x33: {  	p0 =	seq.s32 s10, $0x1;
	s10 =	sld [smem:$0x3FBA];
	_ =	sdelay $0x3  }
0x34: {  	[smem:$0x3FBA] =	sst s10  }
0x35: {  	s10 =	sld [smem:$0x3FB9];
	_ =	sdelay $0x3  }
0x36: {  	p1 =	seq.s32 s10, $0x1;
	s10 =	sld [smem:$0x3FBA];
	_ =	sdelay $0x3  }
0x37: {  	[smem:$0x3FBA] =	sst s10  }
0x38: {  	s10 =	sld [smem:$0x3FBB]  }
0x39: {  	_ = 	snop;
	(pc) =	sbr.ind lr, $3  }
0x3a: {  	_ = 	snop  }
0x3b: {  	_ = 	snop  }
0x3c: {  	p2 =	seq.s32 s10, $0x1;
	s10 =	sld [smem:$0x3FBA]  }
0x3d: {  	_ =	shalt  }
0x3e: {  	_ =	shalt  }
0x3f: {  	_ =	shalt  }
0x40: {  	_ =	shalt  }
0x41: {  	_ =	shalt  }
0x42: {  	_ =	shalt  }
0x43: {  	_ =	shalt  }
0x44: {  	_ =	shalt  }
0x45: {  	_ =	shalt  }
0x46: {  	_ =	shalt  }
0x47: {  	_ =	shalt  }
0x48: {  	_ =	shalt  }
0x49: {  	_ =	shalt  }
0x4a: {  	_ =	shalt  }
0x4b: {  	_ =	shalt  }
0x4c: {  	_ =	shalt  }
0x4d: {  	_ =	shalt  }
0x4e: {  	_ =	shalt  }
0x4f: {  	_ =	shalt  }
0x50: {  	_ =	shalt  }
0x51: {  	_ =	shalt  }
0x52: {  	_ =	shalt  }
0x53: {  	_ =	shalt  }
0x54: {  	_ =	shalt  }
0x55: {  	_ =	shalt  }
0x56: {  	_ =	shalt  }
0x57: {  	_ =	shalt  }
0x58: {  	_ =	shalt  }
0x59: {  	_ =	shalt  }
0x5a: {  	_ =	shalt  }
0x5b: {  	_ =	shalt  }
0x5c: {  	_ =	shalt  }
0x5d: {  	_ =	shalt  }
0x5e: {  	_ =	shalt  }
0x5f: {  	_ =	shalt  }
0x60: {  	_ =	shalt  }
0x61: {  	_ =	shalt  }
0x62: {  	_ =	shalt  }
0x63: {  	_ =	shalt  }
0x64: {  	_ =	shalt  }
0x65: {  	_ =	shalt  }
0x66: {  	_ =	shalt  }
0x67: {  	_ =	shalt  }
0x68: {  	_ =	shalt  }
0x69: {  	_ =	shalt  }
0x6a: {  	_ =	shalt  }
0x6b: {  	_ =	shalt  }
0x6c: {  	_ =	shalt  }
0x6d: {  	_ =	shalt  }
0x6e: {  	_ =	shalt  }
0x6f: {  	_ =	shalt  }
0x70: {  	_ =	shalt  }
0x71: {  	_ =	shalt  }
0x72: {  	_ =	shalt  }
0x73: {  	_ =	shalt  }
0x74: {  	_ =	shalt  }
0x75: {  	_ =	shalt  }
0x76: {  	_ =	shalt  }
0x77: {  	_ =	shalt  }
0x78: {  	_ =	shalt  }
0x79: {  	_ =	shalt  }
0x7a: {  	_ =	shalt  }
0x7b: {  	_ =	shalt  }
0x7c: {  	_ =	shalt  }
0x7d: {  	_ =	shalt  }
0x7e: {  	_ =	shalt  }
0x7f: {  	_ =	shalt  }
0x80: {  	_ =	shalt  }
0x81: {  	_ =	shalt  }
0x82: {  	_ =	shalt  }
0x83: {  	_ =	shalt  }
0x84: {  	_ =	shalt  }
0x85: {  	_ =	shalt  }
0x86: {  	_ =	shalt  }
0x87: {  	_ =	shalt  }
.Lfunc_end0:
.L_simem_size_0:
called_computation_lowered:
.L_overlay_start_0:
0x88: {  	s2 =	sld [smem:$0x3FD9]  }
0x89: {  	s3 =	sld [smem:$0x3FFE];
	_ =	sdelay $0x1  }
0x8a: {  	s1 =	srdreg.scid  }
0x8b: {  	s0 =	sand.u32 $0x1, s1  }
0x8c: {  	s14 =	sshll.u32 s0, $0xA;
	s2 =	sadd.s32 s3, s2  }
0x8d: {  	s2 =	sadd.s32 s2, s14  }
0x8e: {  	[smem:$0x3FC6] =	sst s2  }
0x8f: {  	_ = 	snop  }
0x90: {  	s2 =	sld [smem:$0x3FD0];
	_ =	sdelay $0x2  }
0x91: {  	s15 =	simm.s32 $0xA;
	s4 =	simm.s32 $0x10  }
0x92: {  	[smem:s4], [sflag:s15] =	dma.local [hbm:s2], $0x1  }
0x93: {  	_ =	swait.eq [sflag:s15], $0x1  }
0x94: {  	[sflag:s15] =	ssyncset.done $0x0  }
0x95: {  	[sflag:s15] =	ssyncadd.s32 $0xFFFFFFFF  }
0x96: {  	s16 =	sld [smem:$0x10];
	(tm) =	ssettm $0x1  }
0x97: {  	s17 =	sld [smem:$0x3FFB];
	_ =	sdelay $0x3  }
0x98: {  	_ =	strace s17  }
0x99: {  	s3 =	sld [smem:$0x3FFC];
	_ =	sdelay $0x3  }
0x9a: {  	_ =	strace s3  }
0x9b: {  	s3 =	sld [smem:$0x3FFD];
	_ =	sdelay $0x3  }
0x9c: {  	_ =	strace s3  }
0x9d: {  	_ =	strace $0x8FFFFFFF  }
0x9e: {  	s18 =	sld [smem:$0x3FDB];
	_ =	sdelay $0x1  }
0x9f: {  	s19 =	simm.s32 $_scs_section_size  }
0xa0: {  	s5 =	simm.s32 $_size__tile_overlayer_lowered;
	s6 =	simm.s32 $_tile_overlayer_lowered  }
0xa1: {  	s22 =	simm.s32 $0x1BFF;
	s21 =	sshll.u32 s6, $0x1;
	s3 =	sadd.s32 s19, s18  }
0xa2: {  	s7 =	simm.s32 $0x0;
	s20 =	sshll.u32 s5, $0x1;
	s5 =	sadd.s32 s21, s3  }
0xa3: {  	[timem:s7], [sflag:s22] =	dma.local [hbm:s5], s20  }
0xa4: {  	_ =	swait.ge [sflag:s22], s20  }
0xa5: {  	s4 =	ssub.s32 $0x0, s20;
	[sflag:s22] =	ssyncset.done $0x0  }
0xa6: {  	[sflag:s22] =	ssyncadd.s32 s4;
	_ =	sdelay $0x1  }
0xa7: {  	s23 =	simm.s32 $0x1B8B  }
0xa8: {  	_ =	swait.ge [sflag:s23], $0x1  }
0xa9: {  	[sflag:s23] =	ssyncset.done $0x0  }
0xaa: {  	s25 =	simm.s32 $0x1B8E;
	s24 =	sld [smem:$0x3FFE];
	[sflag:s23] =	ssyncadd.s32 $0xFFFFFFFF  }
0xab: {  	s26 =	simm.s32 $execute0_lowered;
	[smem:$0x3FD2] =	sst s25  }
0xac: {  	s5 =	sshll.u32 s26, $0x1;
	_ =	strace $0x80000046;
	[dreg:$0x1] =	wrdreg $0xFFFFFFFF  }
0xad: {  	s28 =	simm.s32 $_size_execute0_lowered;
	s3 =	sadd.s32 s3, s5;
	[dreg:$0x0] =	wrdreg $0x0  }
0xae: {  	s5 =	sshll.u32 s28, $0x1;
	[dreg:$0x2] =	wrdreg s3  }
0xaf: {  	[dreg:$0x3] =	wrdreg s5  }
0xb0: {  	[dreg:$0x4] =	wrdreg $0xC0  }
0xb1: {  	_ =	task [dreg:s7], $0x5FFFF  }
0xb2: {  	[dreg:$0x1] =	wrdreg $0xFFFFFFFF  }
0xb3: {  	[dreg:$0x0] =	wrdreg $0x60  }
0xb4: {  	[dreg:$0x2] =	wrdreg s24  }
0xb5: {  	[dreg:$0x3] =	wrdreg s16  }
0xb6: {  	[dreg:$0x4] =	wrdreg $0x9  }
0xb7: {  	_ =	task.clear_ibuf [dreg:s7], $0x5FFFF;
	_ =	strace $0x90000046  }
0xb8: {  	s29 =	simm.s32 $0x9;
	_ =	strace $0x80000048  }
0xb9: {  	_ =	swait.ge [sflag:s29], $0x1  }
0xba: {  	[sflag:s29] =	ssyncadd.s32 $0xFFFFFFFF  }
0xbb: {  	_ =	strace $0x90000048  }
0xbc: {  	_ =	sfence  }
0xbd: {  	s30 =	sld [smem:$0x0];
	_ =	sdelay $0x2  }
0xbe: {  	s31 =	sshll.u32 s1, $0xD;
	s1 =	sshrl.u32 s1, $0x2  }
0xbf: {  	s3 =	sand.u32 $0x4000, s31;
	s1 =	sadd.s32 s1, s30  }
0xc0: {  	s0 =	sor.u32 s3, s0;
	s1 =	sshll.u32 s1, $0x11  }
0xc1: {  	s0 =	sor.u32 s1, s0  }
0xc2: {  	s0 =	sadd.s32 $0x8F2B, s0  }
0xc3: {  	[sflag:s0] =	ssyncadd.remote.s32 $0x1  }
0xc4: {  	_ =	sfence.sel $0xFFFF  }
0xc5: {  	[dreg:$0x0] =	wrdreg $0xFFFFFFFF;
	(pc) =	sbr.abs _section_cstart, $3  }
0xc6: {  	[dreg:$0x1] =	wrdreg $0xFFFFFFFF  }
0xc7: {  	_ =	task.clear_ibuf [dreg:s7], $0x2FFFF;
	_ =	strace $0x9FFFFFFF  }
0xc8: {  	(tm) =	ssettm $0x7FFFFFFF  }
0xc9: {  	_ =	shalt  }
tec
execute0_lowered:
.L_overlay_start_1:
0x0: {  	(tag) =	ssettag $0x1  }
0x1: {  	s1 =	srdreg.scid;
	s2 =	rddreg [dreg:$0x0]  }
0x2: {  	s0 =	stileid.u32;
	s5 =	rddreg [dreg:$0x1];
	s19 =	simm.s32 $0x900  }
0x3: {  	s20 =	simm.s32 $0x1100;
	s21 =	simm.s32 $0x1900;
	s23 =	simm.s32 $0x2100  }
0x4: {  	s24 =	simm.s32 $0x2900;
	s25 =	simm.s32 $0x3100;
	s26 =	simm.s32 $0x3900  }
0x5: {  	s8 =	simm.s32 $0x4900;
	s9 =	simm.s32 $0x5100;
	s10 =	simm.s32 $0x5900  }
0x6: {  	s11 =	simm.s32 $0x6100;
	s12 =	simm.s32 $0x6900;
	s13 =	simm.s32 $0x7100  }
0x7: {  	s14 =	simm.s32 $0x7900;
	s15 =	simm.s32 $0x8100;
	s1 =	sand.u32 $0x1, s1  }
0x8: {  	s16 =	simm.s32 $0x8900;
	s3 =	sshll.u32 s0, $0x9;
	s4 =	sshll.u32 s1, $0x8  }
0x9: {  	s17 =	simm.s32 $0x9100;
	s4 =	sor.u32 s4, s3;
	s3 =	simm.s32 $0x0  }
0xa: {  	s18 =	simm.s32 $0x9900;
	s28 =	simm.s32 $0xE100;
	[smem:$0x7FF] =	sst s3  }
0xb: {  	s29 =	simm.s32 $0xE900;
	_ =	strace $0x80000047;
	[dreg:$0x5] =	wrdreg s19  }
0xc: {  	s30 =	simm.s32 $0xF100;
	s1 =	ssub.s32 $0x2, s1;
	[dreg:$0x6] =	wrdreg s20  }
0xd: {  	s31 =	simm.s32 $0xF900;
	s22 =	sshrl.u32 s1, $0x1;
	[dreg:$0x7] =	wrdreg s21  }
0xe: {  	s6 =	sshrl.u32 s4, $0x3;
	s4 =	sshll.u32 s4, $0x5;
	[dreg:$0x8] =	wrdreg s23  }
0xf: {  	s1 =	ssub.s32 s1, s22;
	s22 =	simm.s32 $0xB900;
	[dreg:$0x9] =	wrdreg s24  }
0x10: {  	s6 =	sadd.s32 s6, s2;
	s4 =	sadd.s32 s5, s4;
	[dreg:$0xa] =	wrdreg s25  }
0x11: {  	s5 =	simm.s32 $0x2;
	[dreg:$0xb] =	wrdreg s26;
	s19 =	simm.s32 $0xA100  }
0x12: {  	s20 =	simm.s32 $0xA900;
	s21 =	simm.s32 $0xB100;
	s23 =	simm.s32 $0xC100  }
0x13: {  	v2 =	vlaneseq.u32;
	s24 =	simm.s32 $0xC900;
	s25 =	simm.s32 $0xD100;
	s26 =	simm.s32 $0xD900  }
0x14: {  	vm0 =	vmmov $0xffff;
	v1 =	vshrl.u32 v2, $0x3;
	s6 =	sadd.s32 $0x40000, s6;
	[dreg:$0x4] =	wrdreg s4;
	s4 =	smax.u32 s1, $0x1  }
0x15: {  	v0 =	vand.u32 $0x7, v2;
	v2 =	vor.u32 $0x8, v2;
	v1 =	vmul.u32 $0x8, v1;
	s1 =	simm.s32 $0x1;
	[dreg:$0x3] =	wrdreg s6;
	s6 =	simm.s32 $0x100  }
.LBB2_1:
0x16: {  	s0 =	rddreg [dreg:$0x3]  }
0x17: {  	[tilespmem:s3], [sflag:$0x2] =	stream.linear.gather [hbm4b:s0+s3], $0x100, $0x38;
	[tilespmem:$0x10100] =	vst v63  }
0x18: {  	_ =	swait.ge [sflag:s5], $0x100  }
0x19: {  	[sflag:s5] =	ssyncset.done $0x0  }
0x1a: {  	[sflag:s5] =	ssyncadd.s32 $0xFFFFFF00  }
0x1b: {  	v3 =	vld [tilespmem:$0x0];
	_ =	sdelay $0x4  }
0x1c: {  	v4 =	vshll.u32 v3, $0x1  }
0x1d: {  	v3 =	vand.u32 $0x7, v3;
	v4 =	vand.u32 $0xFFFFFFF0, v4  }
0x1e: {  	v3 =	vor.u32 v3, v4  }
0x1f: {  	v4 =	vperm.xlane v3, v0;
	_ =	sdelay $0x1  }
0x20: {  	v3 =	vperm.xlane v3, v2;
	v4 =	vadd.s32 v1, v4;
	_ =	sdelay $0x1  }
0x21: {  	v3 =	vadd.s32 v1, v3;
	_ =	sdelay $0x2  }
0x22: {  	[tilespmem:s6], [sflag:$0x1] =	stream.indirect_vreg.gather [hbm4b:s2+s3], $0x80, v4, vm0, $0xb8;
	[tilespmem:$0x10100] =	vst v63  }
0x23: {  	s7 =	rddreg [dreg:$0x5]  }
0x24: {  	[tilespmem:s7], [sflag:$0x1] =	stream.indirect_vreg.gather [hbm4b:s2+s3], $0x80, v3, vm0, $0xb8;
	[tilespmem:$0x10100] =	vst v63  }
0x25: {  	v3 =	vld [tilespmem:$0x10];
	_ =	sdelay $0x4  }
0x26: {  	v49 =	vshll.u32 v3, $0x1  }
0x27: {  	v3 =	vand.u32 $0x7, v3;
	v4 =	vand.u32 $0xFFFFFFF0, v49  }
0x28: {  	v3 =	vor.u32 v3, v4  }
0x29: {  	v4 =	vperm.xlane v3, v0;
	_ =	sdelay $0x1  }
0x2a: {  	v3 =	vperm.xlane v3, v2;
	v4 =	vadd.s32 v1, v4;
	_ =	sdelay $0x1  }
0x2b: {  	v3 =	vadd.s32 v1, v3;
	_ =	sdelay $0x1  }
0x2c: {  	s0 =	rddreg [dreg:$0x6]  }
0x2d: {  	[tilespmem:s0], [sflag:$0x1] =	stream.indirect_vreg.gather [hbm4b:s2+s3], $0x80, v4, vm0, $0xb8;
	[tilespmem:$0x10100] =	vst v63  }
0x2e: {  	s7 =	rddreg [dreg:$0x7]  }
0x2f: {  	[tilespmem:s7], [sflag:$0x1] =	stream.indirect_vreg.gather [hbm4b:s2+s3], $0x80, v3, vm0, $0xb8;
	[tilespmem:$0x10100] =	vst v63  }
0x30: {  	v3 =	vld [tilespmem:$0x20];
	_ =	sdelay $0x4  }
0x31: {  	v50 =	vshll.u32 v3, $0x1  }
0x32: {  	v3 =	vand.u32 $0x7, v3;
	v4 =	vand.u32 $0xFFFFFFF0, v50  }
0x33: {  	v3 =	vor.u32 v3, v4  }
0x34: {  	v4 =	vperm.xlane v3, v0;
	_ =	sdelay $0x1  }
0x35: {  	v3 =	vperm.xlane v3, v2;
	v4 =	vadd.s32 v1, v4;
	_ =	sdelay $0x1  }
0x36: {  	v3 =	vadd.s32 v1, v3;
	_ =	sdelay $0x1  }
0x37: {  	s0 =	rddreg [dreg:$0x8]  }
0x38: {  	[tilespmem:s0], [sflag:$0x1] =	stream.indirect_vreg.gather [hbm4b:s2+s3], $0x80, v4, vm0, $0xb8;
	[tilespmem:$0x10100] =	vst v63  }
0x39: {  	s7 =	rddreg [dreg:$0x9]  }
0x3a: {  	[tilespmem:s7], [sflag:$0x1] =	stream.indirect_vreg.gather [hbm4b:s2+s3], $0x80, v3, vm0, $0xb8;
	[tilespmem:$0x10100] =	vst v63  }
0x3b: {  	v3 =	vld [tilespmem:$0x30];
	_ =	sdelay $0x4  }
0x3c: {  	v51 =	vshll.u32 v3, $0x1  }
0x3d: {  	v3 =	vand.u32 $0x7, v3;
	v4 =	vand.u32 $0xFFFFFFF0, v51  }
0x3e: {  	v3 =	vor.u32 v3, v4  }
0x3f: {  	v4 =	vperm.xlane v3, v0;
	_ =	sdelay $0x1  }
0x40: {  	v3 =	vperm.xlane v3, v2;
	v4 =	vadd.s32 v1, v4;
	_ =	sdelay $0x1  }
0x41: {  	v3 =	vadd.s32 v1, v3;
	_ =	sdelay $0x1  }
0x42: {  	s0 =	rddreg [dreg:$0xa]  }
0x43: {  	[tilespmem:s0], [sflag:$0x1] =	stream.indirect_vreg.gather [hbm4b:s2+s3], $0x80, v4, vm0, $0xb8;
	[tilespmem:$0x10100] =	vst v63  }
0x44: {  	s7 =	rddreg [dreg:$0xb]  }
0x45: {  	[tilespmem:s7], [sflag:$0x1] =	stream.indirect_vreg.gather [hbm4b:s2+s3], $0x80, v3, vm0, $0xb8;
	[tilespmem:$0x10100] =	vst v63  }
0x46: {  	v3 =	vld [tilespmem:$0x40];
	_ =	sdelay $0x4  }
0x47: {  	v52 =	vshll.u32 v3, $0x1  }
0x48: {  	v3 =	vand.u32 $0x7, v3;
	v4 =	vand.u32 $0xFFFFFFF0, v52  }
0x49: {  	v3 =	vor.u32 v3, v4  }
0x4a: {  	v4 =	vperm.xlane v3, v0;
	_ =	sdelay $0x1  }
0x4b: {  	v3 =	vperm.xlane v3, v2;
	v4 =	vadd.s32 v1, v4;
	_ =	sdelay $0x1  }
0x4c: {  	v3 =	vadd.s32 v1, v3;
	_ =	sdelay $0x1  }
0x4d: {  	s7 =	simm.s32 $0x4100  }
0x4e: {  	[tilespmem:s7], [sflag:$0x1] =	stream.indirect_vreg.gather [hbm4b:s2+s3], $0x80, v4, vm0, $0xb8;
	[tilespmem:$0x10100] =	vst v63  }
0x4f: {  	_ = 	snop  }
0x50: {  	[tilespmem:s8], [sflag:$0x1] =	stream.indirect_vreg.gather [hbm4b:s2+s3], $0x80, v3, vm0, $0xb8;
	[tilespmem:$0x10100] =	vst v63  }
0x51: {  	v3 =	vld [tilespmem:$0x50];
	_ =	sdelay $0x4  }
0x52: {  	v53 =	vshll.u32 v3, $0x1  }
0x53: {  	v3 =	vand.u32 $0x7, v3;
	v4 =	vand.u32 $0xFFFFFFF0, v53  }
0x54: {  	v3 =	vor.u32 v3, v4  }
0x55: {  	v4 =	vperm.xlane v3, v0;
	_ =	sdelay $0x1  }
0x56: {  	v3 =	vperm.xlane v3, v2;
	v4 =	vadd.s32 v1, v4;
	_ =	sdelay $0x1  }
0x57: {  	v3 =	vadd.s32 v1, v3;
	_ =	sdelay $0x2  }
0x58: {  	[tilespmem:s9], [sflag:$0x1] =	stream.indirect_vreg.gather [hbm4b:s2+s3], $0x80, v4, vm0, $0xb8;
	[tilespmem:$0x10100] =	vst v63  }
0x59: {  	_ = 	snop  }
0x5a: {  	[tilespmem:s10], [sflag:$0x1] =	stream.indirect_vreg.gather [hbm4b:s2+s3], $0x80, v3, vm0, $0xb8;
	[tilespmem:$0x10100] =	vst v63  }
0x5b: {  	v3 =	vld [tilespmem:$0x60];
	_ =	sdelay $0x4  }
0x5c: {  	v54 =	vshll.u32 v3, $0x1  }
0x5d: {  	v3 =	vand.u32 $0x7, v3;
	v4 =	vand.u32 $0xFFFFFFF0, v54  }
0x5e: {  	v3 =	vor.u32 v3, v4  }
0x5f: {  	v4 =	vperm.xlane v3, v0;
	_ =	sdelay $0x1  }
0x60: {  	v3 =	vperm.xlane v3, v2;
	v4 =	vadd.s32 v1, v4;
	_ =	sdelay $0x1  }
0x61: {  	v3 =	vadd.s32 v1, v3;
	_ =	sdelay $0x2  }
0x62: {  	[tilespmem:s11], [sflag:$0x1] =	stream.indirect_vreg.gather [hbm4b:s2+s3], $0x80, v4, vm0, $0xb8;
	[tilespmem:$0x10100] =	vst v63  }
0x63: {  	_ = 	snop  }
0x64: {  	[tilespmem:s12], [sflag:$0x1] =	stream.indirect_vreg.gather [hbm4b:s2+s3], $0x80, v3, vm0, $0xb8;
	[tilespmem:$0x10100] =	vst v63  }
0x65: {  	v3 =	vld [tilespmem:$0x70];
	_ =	sdelay $0x4  }
0x66: {  	v55 =	vshll.u32 v3, $0x1  }
0x67: {  	v3 =	vand.u32 $0x7, v3;
	v4 =	vand.u32 $0xFFFFFFF0, v55  }
0x68: {  	v3 =	vor.u32 v3, v4  }
0x69: {  	v4 =	vperm.xlane v3, v0;
	_ =	sdelay $0x1  }
0x6a: {  	v3 =	vperm.xlane v3, v2;
	v4 =	vadd.s32 v1, v4;
	_ =	sdelay $0x1  }
0x6b: {  	v3 =	vadd.s32 v1, v3;
	_ =	sdelay $0x2  }
0x6c: {  	[tilespmem:s13], [sflag:$0x1] =	stream.indirect_vreg.gather [hbm4b:s2+s3], $0x80, v4, vm0, $0xb8;
	[tilespmem:$0x10100] =	vst v63  }
0x6d: {  	_ = 	snop  }
0x6e: {  	[tilespmem:s14], [sflag:$0x1] =	stream.indirect_vreg.gather [hbm4b:s2+s3], $0x80, v3, vm0, $0xb8;
	[tilespmem:$0x10100] =	vst v63  }
0x6f: {  	v3 =	vld [tilespmem:$0x80];
	_ =	sdelay $0x4  }
0x70: {  	v56 =	vshll.u32 v3, $0x1  }
0x71: {  	v3 =	vand.u32 $0x7, v3;
	v4 =	vand.u32 $0xFFFFFFF0, v56  }
0x72: {  	v3 =	vor.u32 v3, v4  }
0x73: {  	v4 =	vperm.xlane v3, v0;
	_ =	sdelay $0x1  }
0x74: {  	v3 =	vperm.xlane v3, v2;
	v4 =	vadd.s32 v1, v4;
	_ =	sdelay $0x1  }
0x75: {  	v3 =	vadd.s32 v1, v3;
	_ =	sdelay $0x2  }
0x76: {  	[tilespmem:s15], [sflag:$0x1] =	stream.indirect_vreg.gather [hbm4b:s2+s3], $0x80, v4, vm0, $0xb8;
	[tilespmem:$0x10100] =	vst v63  }
0x77: {  	_ = 	snop  }
0x78: {  	[tilespmem:s16], [sflag:$0x1] =	stream.indirect_vreg.gather [hbm4b:s2+s3], $0x80, v3, vm0, $0xb8;
	[tilespmem:$0x10100] =	vst v63  }
0x79: {  	v3 =	vld [tilespmem:$0x90];
	_ =	sdelay $0x4  }
0x7a: {  	v57 =	vshll.u32 v3, $0x1  }
0x7b: {  	v3 =	vand.u32 $0x7, v3;
	v4 =	vand.u32 $0xFFFFFFF0, v57  }
0x7c: {  	v3 =	vor.u32 v3, v4  }
0x7d: {  	v4 =	vperm.xlane v3, v0;
	_ =	sdelay $0x1  }
0x7e: {  	v3 =	vperm.xlane v3, v2;
	v4 =	vadd.s32 v1, v4;
	_ =	sdelay $0x1  }
0x7f: {  	v3 =	vadd.s32 v1, v3;
	_ =	sdelay $0x2  }
0x80: {  	[tilespmem:s17], [sflag:$0x1] =	stream.indirect_vreg.gather [hbm4b:s2+s3], $0x80, v4, vm0, $0xb8;
	[tilespmem:$0x10100] =	vst v63  }
0x81: {  	_ = 	snop  }
0x82: {  	[tilespmem:s18], [sflag:$0x1] =	stream.indirect_vreg.gather [hbm4b:s2+s3], $0x80, v3, vm0, $0xb8;
	[tilespmem:$0x10100] =	vst v63  }
0x83: {  	v3 =	vld [tilespmem:$0xA0];
	_ =	sdelay $0x4  }
0x84: {  	v58 =	vshll.u32 v3, $0x1  }
0x85: {  	v3 =	vand.u32 $0x7, v3;
	v4 =	vand.u32 $0xFFFFFFF0, v58  }
0x86: {  	v3 =	vor.u32 v3, v4  }
0x87: {  	v4 =	vperm.xlane v3, v0;
	_ =	sdelay $0x1  }
0x88: {  	v3 =	vperm.xlane v3, v2;
	v4 =	vadd.s32 v1, v4;
	_ =	sdelay $0x1  }
0x89: {  	v3 =	vadd.s32 v1, v3;
	_ =	sdelay $0x2  }
0x8a: {  	[tilespmem:s19], [sflag:$0x1] =	stream.indirect_vreg.gather [hbm4b:s2+s3], $0x80, v4, vm0, $0xb8;
	[tilespmem:$0x10100] =	vst v63  }
0x8b: {  	_ = 	snop  }
0x8c: {  	[tilespmem:s20], [sflag:$0x1] =	stream.indirect_vreg.gather [hbm4b:s2+s3], $0x80, v3, vm0, $0xb8;
	[tilespmem:$0x10100] =	vst v63  }
0x8d: {  	v3 =	vld [tilespmem:$0xB0];
	_ =	sdelay $0x4  }
0x8e: {  	v59 =	vshll.u32 v3, $0x1  }
0x8f: {  	v3 =	vand.u32 $0x7, v3;
	v4 =	vand.u32 $0xFFFFFFF0, v59  }
0x90: {  	v3 =	vor.u32 v3, v4  }
0x91: {  	v4 =	vperm.xlane v3, v0;
	_ =	sdelay $0x1  }
0x92: {  	v3 =	vperm.xlane v3, v2;
	v4 =	vadd.s32 v1, v4;
	_ =	sdelay $0x1  }
0x93: {  	v3 =	vadd.s32 v1, v3;
	_ =	sdelay $0x2  }
0x94: {  	[tilespmem:s21], [sflag:$0x1] =	stream.indirect_vreg.gather [hbm4b:s2+s3], $0x80, v4, vm0, $0xb8;
	[tilespmem:$0x10100] =	vst v63  }
0x95: {  	_ = 	snop  }
0x96: {  	[tilespmem:s22], [sflag:$0x1] =	stream.indirect_vreg.gather [hbm4b:s2+s3], $0x80, v3, vm0, $0xb8;
	[tilespmem:$0x10100] =	vst v63  }
0x97: {  	v3 =	vld [tilespmem:$0xC0];
	_ =	sdelay $0x4  }
0x98: {  	v60 =	vshll.u32 v3, $0x1  }
0x99: {  	v3 =	vand.u32 $0x7, v3;
	v4 =	vand.u32 $0xFFFFFFF0, v60  }
0x9a: {  	v3 =	vor.u32 v3, v4  }
0x9b: {  	v4 =	vperm.xlane v3, v0;
	_ =	sdelay $0x1  }
0x9c: {  	v3 =	vperm.xlane v3, v2;
	v4 =	vadd.s32 v1, v4;
	_ =	sdelay $0x1  }
0x9d: {  	v3 =	vadd.s32 v1, v3;
	_ =	sdelay $0x2  }
0x9e: {  	[tilespmem:s23], [sflag:$0x1] =	stream.indirect_vreg.gather [hbm4b:s2+s3], $0x80, v4, vm0, $0xb8;
	[tilespmem:$0x10100] =	vst v63  }
0x9f: {  	_ = 	snop  }
0xa0: {  	[tilespmem:s24], [sflag:$0x1] =	stream.indirect_vreg.gather [hbm4b:s2+s3], $0x80, v3, vm0, $0xb8;
	[tilespmem:$0x10100] =	vst v63  }
0xa1: {  	v3 =	vld [tilespmem:$0xD0];
	_ =	sdelay $0x4  }
0xa2: {  	v61 =	vshll.u32 v3, $0x1  }
0xa3: {  	v3 =	vand.u32 $0x7, v3;
	v4 =	vand.u32 $0xFFFFFFF0, v61  }
0xa4: {  	v3 =	vor.u32 v3, v4  }
0xa5: {  	v4 =	vperm.xlane v3, v0;
	_ =	sdelay $0x1  }
0xa6: {  	v3 =	vperm.xlane v3, v2;
	v4 =	vadd.s32 v1, v4;
	_ =	sdelay $0x1  }
0xa7: {  	v3 =	vadd.s32 v1, v3;
	_ =	sdelay $0x2  }
0xa8: {  	[tilespmem:s25], [sflag:$0x1] =	stream.indirect_vreg.gather [hbm4b:s2+s3], $0x80, v4, vm0, $0xb8;
	[tilespmem:$0x10100] =	vst v63  }
0xa9: {  	_ = 	snop  }
0xaa: {  	[tilespmem:s26], [sflag:$0x1] =	stream.indirect_vreg.gather [hbm4b:s2+s3], $0x80, v3, vm0, $0xb8;
	[tilespmem:$0x10100] =	vst v63  }
0xab: {  	v3 =	vld [tilespmem:$0xE0];
	_ =	sdelay $0x4  }
0xac: {  	v62 =	vshll.u32 v3, $0x1  }
0xad: {  	v3 =	vand.u32 $0x7, v3;
	v4 =	vand.u32 $0xFFFFFFF0, v62  }
0xae: {  	v3 =	vor.u32 v3, v4  }
0xaf: {  	v4 =	vperm.xlane v3, v0;
	_ =	sdelay $0x1  }
0xb0: {  	v3 =	vperm.xlane v3, v2;
	v4 =	vadd.s32 v1, v4;
	_ =	sdelay $0x1  }
0xb1: {  	v3 =	vadd.s32 v1, v3;
	_ =	sdelay $0x2  }
0xb2: {  	[tilespmem:s28], [sflag:$0x1] =	stream.indirect_vreg.gather [hbm4b:s2+s3], $0x80, v4, vm0, $0xb8;
	[tilespmem:$0x10100] =	vst v63  }
0xb3: {  	_ = 	snop  }
0xb4: {  	[tilespmem:s29], [sflag:$0x1] =	stream.indirect_vreg.gather [hbm4b:s2+s3], $0x80, v3, vm0, $0xb8;
	[tilespmem:$0x10100] =	vst v63  }
0xb5: {  	v3 =	vld [tilespmem:$0xF0];
	_ =	sdelay $0x4  }
0xb6: {  	v63 =	vshll.u32 v3, $0x1  }
0xb7: {  	v3 =	vand.u32 $0x7, v3;
	v4 =	vand.u32 $0xFFFFFFF0, v63  }
0xb8: {  	v3 =	vor.u32 v3, v4  }
0xb9: {  	v4 =	vperm.xlane v3, v0;
	_ =	sdelay $0x1  }
0xba: {  	v3 =	vperm.xlane v3, v2;
	v4 =	vadd.s32 v1, v4;
	_ =	sdelay $0x1  }
0xbb: {  	v3 =	vadd.s32 v1, v3;
	_ =	sdelay $0x2  }
0xbc: {  	[tilespmem:s30], [sflag:$0x1] =	stream.indirect_vreg.gather [hbm4b:s2+s3], $0x80, v4, vm0, $0xb8;
	[tilespmem:$0x10100] =	vst v63  }
0xbd: {  	_ = 	snop  }
0xbe: {  	[tilespmem:s31], [sflag:$0x1] =	stream.indirect_vreg.gather [hbm4b:s2+s3], $0x80, v3, vm0, $0xb8;
	[tilespmem:$0x10100] =	vst v63  }
0xbf: {  	_ =	swait.ge [sflag:s1], $0x10000  }
0xc0: {  	p0 =	sne.s32 s4, $0x1;
	[sflag:s1] =	ssyncset.done $0x0  }
.Ltmp0:
0xc1: {  	s7 =	rddreg [dreg:$0x4];
	[sflag:s1] =	ssyncadd.s32 $0xFFFF0000;
	(pc) =	sbr.rel @p0 .LBB2_1-.Ltmp0, $4  }
0xc2: {  	[hbm4b:s7+s3] =	stream.linear.scatter [tilespmem:s6], [sflag:$0x2], $0x10000, $0x38;
	[tilespmem:$0x10100] =	vst v63  }
0xc3: {  	_ =	swait.ge [sflag:s5], $0x10000  }
0xc4: {  	[sflag:s5] =	ssyncset.done $0x0  }
0xc5: {  	s4 =	sadd.s32 $0xFFFFFFFF, s4;
	[sflag:s5] =	ssyncadd.s32 $0xFFFF0000  }
0xc6: {  	_ =	sfence.sel $0x180000  }
0xc7: {  	[bflag:$0x0] =	sbarrier.arrive $0xFFFF  }
0xc8: {  	_ =	strace $0x90000047  }
0xc9: {  	s0 =	stileid.u32;
	[bflag:$0x2] =	sbarrier.arrive $0xFFFF  }
0xca: {  	p0 =	sne.s32 s0, $0x0;
	s0 =	rddreg [dreg:$0x2]  }
0xcb: {  	s0 =	sadd.s32 @!p0 $0x100000, s0  }
0xcc: {  	[sflag:s0] =	ssyncadd.tile.s32 @!p0 $0x1;
	_ =	shalt  }
.Lfunc_end2:
_tile_overlayer_lowered:
.L_overlay_start_2:
0xcd: {  	(tag) =	ssettag $0x2  }
0xce: {  	s0 =	rddreg [dreg:$0x0];
	s2 =	stileid.u32  }
0xcf: {  	s1 =	rddreg [dreg:$0x1];
	p0 =	sne.s32 s2, $0x0  }
0xd0: {  	s3 =	rddreg [dreg:$0x2];
	[bflag:$0x3] =	sbarrier.arrive $0xFFFF;
	s2 =	simm.s32 @!p0 $0x1C02  }
0xd1: {  	[timem:s3], [sflag:s2] =	dma.local @!p0 [hbm:s0], s1  }
0xd2: {  	s0 =	simm.s32 @!p0 $0x2  }
0xd3: {  	_ =	swait.ge @!p0 [sflag:s0], s1  }
0xd4: {  	s1 =	ssub.s32 @!p0 $0x0, s1;
	[sflag:s0] =	ssyncset.done @!p0 $0x0  }
0xd5: {  	[sflag:s0] =	ssyncadd.s32 @!p0 s1  }
0xd6: {  	[bflag:$0x3] =	sbarrier.arrive $0xFFFF  }
0xd7: {  	_ =	shalt  }

</sc_bundles>
